<compile_context>
chip_gen: v7x
topology: tpu7x:2x2x1
jax: 0.10.2.dev20260603
libtpu: 0.0.44.dev20260713+nightly
codegen_flags: <defaults>
</compile_context>

<pallas_src>
import jax
import jax.numpy as jnp
from jax import lax
from jax.experimental import pallas as pl
from jax.experimental.pallas import tpu as pltpu
from jax.experimental.pallas import tpu_sc as plsc

P = 1024
D = 256
N_NODES = 511
N_PAD = 512
DEPTH = 8
NW = 32
PPW = P // NW
L = 16


def _scores_body(x_ref, nodes_ref, out_ref):
    n = nodes_ref[...]
    nt = jnp.concatenate(
        [n, jnp.zeros((N_PAD - N_NODES, D), jnp.float32)], axis=0).T
    norms = jnp.sum(nt * nt, axis=0)
    for h in range(4):
        x = x_ref[pl.ds(128 * h, 128), :]
        xp = x.reshape(8, 16, 32, 16).transpose(0, 2, 1, 3).reshape(P // 4, D)
        dots = lax.dot_general(
            xp, nt, (((1,), (0,)), ((), ())),
            preferred_element_type=jnp.float32,
            precision=lax.Precision.HIGHEST,
        )
        out_ref[pl.ds(P // 4 * h, P // 4), :] = norms[None, :] - 2.0 * dots


def _walk_body(s_hbm, out_hbm, s_v, res_v, sem_lo, sem_hi):
    c = lax.axis_index("c")
    s = lax.axis_index("s")
    wid = s * 2 + c
    base = wid * PPW
    cp_lo = pltpu.make_async_copy(
        s_hbm.at[pl.ds(base, PPW), pl.ds(0, 256)],
        s_v.at[:, pl.ds(0, 256)], sem_lo)
    cp_hi = pltpu.make_async_copy(
        s_hbm.at[pl.ds(base, PPW), pl.ds(256, 256)],
        s_v.at[:, pl.ds(256, 256)], sem_hi)
    cp_lo.start()
    cp_hi.start()
    cp_lo.wait()
    curs = []
    for g in range(PPW // L):
        rows = lax.iota(jnp.int32, L) + g * L
        cur = jnp.zeros((L,), jnp.int32)
        for _ in range(DEPTH - 1):
            c1 = 2 * cur + 1
            c2 = c1 + 1
            s1 = plsc.load_gather(s_v, [rows, c1])
            s2 = plsc.load_gather(s_v, [rows, c2])
            cur = jnp.where(s1 <= s2, c1, c2)
        curs.append((rows, cur))
    cp_hi.wait()
    for g, (rows, cur) in enumerate(curs):
        c1 = 2 * cur + 1
        c2 = c1 + 1
        s1 = plsc.load_gather(s_v, [rows, c1])
        s2 = plsc.load_gather(s_v, [rows, c2])
        cur = jnp.where(s1 <= s2, c1, c2)
        res_v[pl.ds(g * L, L)] = cur
    pltpu.sync_copy(res_v, out_hbm.at[pl.ds(base, PPW)])


def kernel(X, nodes):
    scores = pl.pallas_call(
        _scores_body,
        out_shape=jax.ShapeDtypeStruct((P, N_PAD), jnp.float32),
    )(X, nodes)
    walk = pl.kernel(
        _walk_body,
        out_type=jax.ShapeDtypeStruct((P,), jnp.int32),
        mesh=plsc.VectorSubcoreMesh(core_axis_name="c", subcore_axis_name="s"),
        scratch_types=[
            pltpu.VMEM((PPW, N_PAD), jnp.float32),
            pltpu.VMEM((PPW,), jnp.int32),
            pltpu.SemaphoreType.DMA,
            pltpu.SemaphoreType.DMA,
        ],
        compiler_params=pltpu.CompilerParams(needs_layout_passes=False),
    )
    leaf = walk(scores)
    return leaf.reshape(P, 1)

# --- scband reference (transcript-rebuilt; emitter-appended) ---
"""Pipeline reference for scband-conv2d-sot-70042326663754 (READ-ONLY COPY).

The authoritative reference and input builder live on the scoring server;
editing this copy changes nothing except your own understanding.
"""

import jax, jax.numpy as jnp
import numpy as np

KERNEL = 16
STRIDE = 16
PADDING = 0
LR = 0.3
LEAF_NUM = 256  # 2**ceil(log2(256))
DEPTH = 8       # log2(LEAF_NUM)
N_NODES = LEAF_NUM * 2 - 1  # 511


def img2patches(x):
    padded = jnp.pad(x, ((PADDING, PADDING), (PADDING, PADDING)), mode='constant', constant_values=0.0)
    H, W = padded.shape
    nH = (H - KERNEL) // STRIDE + 1
    nW = (W - KERNEL) // STRIDE + 1
    ii = (jnp.arange(nH) * STRIDE)[:, None, None, None] + jnp.arange(KERNEL)[None, None, :, None]
    jj = (jnp.arange(nW) * STRIDE)[None, :, None, None] + jnp.arange(KERNEL)[None, None, None, :]
    p = padded[ii, jj]  # (nH, nW, K, K), p[i,j] = padded[i*s:i*s+K, j*s:j*s+K]
    return p.reshape(nH * nW, KERNEL * KERNEL)


def pnorm(x1, x2, p=2):
    # faithful to original: (sum((x1 - x2)**p, axis=2))**p
    return jnp.power(jnp.power(x1 - x2[:, None, :], p).sum(axis=2), p)


def propagate_through_tree(X, nodes):
    P = X.shape[0]
    start = 1
    layers = []
    layer_state = jnp.zeros((P, 1), dtype=jnp.int32)
    bmu_index = None
    bmu_dists = None
    for n in range(1, DEPTH + 1):
        npl = 2 ** n
        layer = jnp.arange(start, start + npl, dtype=jnp.int32)
        layer_state = jnp.repeat(layer_state, 2, axis=1)  # (P, npl)
        # the two competing children are consecutive columns starting at the first argmax
        pos = jnp.argmax(layer_state, axis=1)  # even column index of winning pair
        competing_indices = jnp.stack([layer[pos], layer[pos + 1]], axis=1)  # (P, 2)
        competing_nodes = nodes[competing_indices]  # (P, 2, K*K) gather
        dist = pnorm(competing_nodes, X)  # (P, 2)
        bmu_dists = jnp.min(dist, axis=1)
        bmu = jnp.argmin(dist, axis=1)
        bmu_index = jnp.take_along_axis(competing_indices, bmu[:, None], axis=1)  # (P, 1)
        layer_state = layer_state + (layer[None, :] == bmu_index).astype(jnp.int32)
        layers.append(layer_state)
        start += npl
    return jnp.concatenate(layers, axis=1), bmu_index, bmu_dists


def learning_rates_per_branch(lr):
    return lr * (2.0 ** jnp.arange(1, DEPTH + 2, dtype=jnp.float32)) / (2.0 ** (DEPTH + 1))


def setup_inputs(seed: int = 0) -> dict:
    key = jax.random.key(seed)
    k1, k2 = jax.random.split(key)
    X = jax.random.uniform(k1, (512, 512), dtype=jnp.float32)
    nodes = jax.random.uniform(k2, (N_NODES, KERNEL * KERNEL), dtype=jnp.float32)
    return {"X": X, "nodes": nodes}


def reference(X, nodes):
    Xp = img2patches(X)
    indices, bmu_indices, bmu_dists = propagate_through_tree(Xp, nodes)
    lrs_table = learning_rates_per_branch(LR)
    neighborhood_lrs = lrs_table[indices.reshape(-1)].reshape(indices.shape)  # (P, 510)
    neighborhood_updates = (neighborhood_lrs[:, :, None] * (Xp[:, None, :] - nodes[1:, :][None, :, :])).mean(0)
    new_nodes = nodes.at[1:, :].add(neighborhood_updates)  # functional version of in-place SOM update
    del new_nodes
    return bmu_indices

if __name__ == "__main__":
    import jax
    _d = setup_inputs()
    print(jax.jit(kernel)(*tuple(_d.values())))

</pallas_src>

<mosaic_0001>
#map = affine_map<(d0, d1) -> (0, 0)>
#map1 = affine_map<(d0, d1) -> (0)>
module attributes {stable_mosaic.version = 14 : i64} {
  func.func @_walk_body(%arg0: i32, %arg1: i32, %arg2: memref<1024x512xf32, #tpu.memory_space<hbm>>, %arg3: memref<1024xi32, #tpu.memory_space<hbm>>, %arg4: memref<32x512xf32, #tpu.memory_space<vmem>>, %arg5: memref<32xi32, #tpu.memory_space<vmem>>, %arg6: memref<!tpu.dma_semaphore, #tpu.memory_space<semaphore_mem>>, %arg7: memref<!tpu.dma_semaphore, #tpu.memory_space<semaphore_mem>>) attributes {dimension_semantics = [#tpu.dimension_semantics<core_parallel>, #tpu.dimension_semantics<subcore_parallel>], iteration_bounds = array<i64: 2, 16>, scalar_prefetch = 0 : i64, scratch_operands = 4 : i64, tpu.core_type = #tpu.core_type<sc_vector_subcore>, window_params = [{transform_indices = #map}, {transform_indices = #map1}]} {
    %mul3A = arith.constant 2 : i32
    %mul3A_0 = arith.muli %arg1, %mul3A : i32
    %add3A = arith.addi %mul3A_0, %arg0 : i32
    %mul3A_1 = arith.constant 32 : i32
    %mul3A_2 = arith.muli %add3A, %mul3A_1 : i32
    %dma_start3A = arith.constant 0 : i32
    %dma_start3A_3 = arith.constant 0 : i32
    %dma_start3A_4 = tpu.memref_slice %arg4[%dma_start3A, %dma_start3A_3] : memref<32x512xf32, #tpu.memory_space<vmem>> -> memref<32x256xf32, #tpu.memory_space<vmem>>
    %dma_start3A_5 = arith.constant 0 : i32
    %dma_start3A_6 = tpu.memref_slice %arg2[%mul3A_2, %dma_start3A_5] : memref<1024x512xf32, #tpu.memory_space<hbm>> -> memref<32x256xf32, #tpu.memory_space<hbm>>
    %dma_start3A_7 = arith.constant 0 : i32
    %dma_start3A_8 = arith.constant 0 : i32
    %dma_start3A_9 = tpu.memref_slice %arg4[%dma_start3A_7, %dma_start3A_8] : memref<32x512xf32, #tpu.memory_space<vmem>> -> memref<32x256xf32, #tpu.memory_space<vmem>>
    %dma_start3A_10 = arith.constant 0 : i32
    %dma_start3A_11 = tpu.memref_slice %arg2[%mul3A_2, %dma_start3A_10] : memref<1024x512xf32, #tpu.memory_space<hbm>> -> memref<32x256xf32, #tpu.memory_space<hbm>>
    tpu.enqueue_dma source(%dma_start3A_11 : memref<32x256xf32, #tpu.memory_space<hbm>>) target(%dma_start3A_9 : memref<32x256xf32, #tpu.memory_space<vmem>>) target_semaphore(%arg6 : memref<!tpu.dma_semaphore, #tpu.memory_space<semaphore_mem>>)
    %dma_start3A_12 = arith.constant 0 : i32
    %dma_start3A_13 = arith.constant 256 : i32
    %dma_start3A_14 = tpu.memref_slice %arg4[%dma_start3A_12, %dma_start3A_13] : memref<32x512xf32, #tpu.memory_space<vmem>> -> memref<32x256xf32, #tpu.memory_space<vmem>>
    %dma_start3A_15 = arith.constant 256 : i32
    %dma_start3A_16 = tpu.memref_slice %arg2[%mul3A_2, %dma_start3A_15] : memref<1024x512xf32, #tpu.memory_space<hbm>> -> memref<32x256xf32, #tpu.memory_space<hbm>>
    %dma_start3A_17 = arith.constant 0 : i32
    %dma_start3A_18 = arith.constant 256 : i32
    %dma_start3A_19 = tpu.memref_slice %arg4[%dma_start3A_17, %dma_start3A_18] : memref<32x512xf32, #tpu.memory_space<vmem>> -> memref<32x256xf32, #tpu.memory_space<vmem>>
    %dma_start3A_20 = arith.constant 256 : i32
    %dma_start3A_21 = tpu.memref_slice %arg2[%mul3A_2, %dma_start3A_20] : memref<1024x512xf32, #tpu.memory_space<hbm>> -> memref<32x256xf32, #tpu.memory_space<hbm>>
    tpu.enqueue_dma source(%dma_start3A_21 : memref<32x256xf32, #tpu.memory_space<hbm>>) target(%dma_start3A_19 : memref<32x256xf32, #tpu.memory_space<vmem>>) target_semaphore(%arg7 : memref<!tpu.dma_semaphore, #tpu.memory_space<semaphore_mem>>)
    %dma_wait3A = arith.constant 0 : i32
    %dma_wait3A_22 = arith.constant 0 : i32
    %dma_wait3A_23 = tpu.memref_slice %arg4[%dma_wait3A, %dma_wait3A_22] : memref<32x512xf32, #tpu.memory_space<vmem>> -> memref<32x256xf32, #tpu.memory_space<vmem>>
    %dma_wait3A_24 = arith.constant 0 : i32
    %dma_wait3A_25 = tpu.memref_slice %arg2[%mul3A_2, %dma_wait3A_24] : memref<1024x512xf32, #tpu.memory_space<hbm>> -> memref<32x256xf32, #tpu.memory_space<hbm>>
    %dma_wait3A_26 = arith.constant 0 : i32
    %dma_wait3A_27 = arith.constant 0 : i32
    %dma_wait3A_28 = tpu.memref_slice %arg4[%dma_wait3A_26, %dma_wait3A_27] : memref<32x512xf32, #tpu.memory_space<vmem>> -> memref<32x256xf32, #tpu.memory_space<vmem>>
    %dma_wait3A_29 = arith.constant 0 : i32
    %dma_wait3A_30 = tpu.memref_slice %arg2[%mul3A_2, %dma_wait3A_29] : memref<1024x512xf32, #tpu.memory_space<hbm>> -> memref<32x256xf32, #tpu.memory_space<hbm>>
    tpu.wait_dma2 semaphore(%arg6 : memref<!tpu.dma_semaphore, #tpu.memory_space<semaphore_mem>>) src(%dma_wait3A_30 : memref<32x256xf32, #tpu.memory_space<hbm>>) dst(%dma_wait3A_28 : memref<32x256xf32, #tpu.memory_space<vmem>>)
    %iota3A = tpu.iota {dimensions = array<i32: 0>} : vector<16xi32>
    %add3A_31 = arith.constant 0 : i32
    %add3A_32 = vector.broadcast %add3A_31 : i32 to vector<16xi32>
    %add3A_33 = arith.addi %iota3A, %add3A_32 : vector<16xi32>
    %broadcast_in_dim3A = arith.constant 0 : i32
    %broadcast_in_dim3A_34 = vector.broadcast %broadcast_in_dim3A : i32 to vector<16xi32>
    %mul3A_35 = arith.constant 2 : i32
    %mul3A_36 = vector.broadcast %mul3A_35 : i32 to vector<16xi32>
    %mul3A_37 = arith.muli %mul3A_36, %broadcast_in_dim3A_34 : vector<16xi32>
    %add3A_38 = arith.constant 1 : i32
    %add3A_39 = vector.broadcast %add3A_38 : i32 to vector<16xi32>
    %add3A_40 = arith.addi %mul3A_37, %add3A_39 : vector<16xi32>
    %add3A_41 = arith.constant 1 : i32
    %add3A_42 = vector.broadcast %add3A_41 : i32 to vector<16xi32>
    %add3A_43 = arith.addi %add3A_40, %add3A_42 : vector<16xi32>
    %gather3A = tpu.vector_load_idx %arg4[%add3A_33, %add3A_40] : memref<32x512xf32, #tpu.memory_space<vmem>>[vector<16xi32>, vector<16xi32>], vector<16xf32>,
    %gather3A_44 = tpu.vector_load_idx %arg4[%add3A_33, %add3A_43] : memref<32x512xf32, #tpu.memory_space<vmem>>[vector<16xi32>, vector<16xi32>], vector<16xf32>,
    %le3A = arith.cmpf ole, %gather3A, %gather3A_44 : vector<16xf32>
    %select_n3A = arith.select %le3A, %add3A_40, %add3A_43 : vector<16xi1>, vector<16xi32>
    %mul3A_45 = arith.constant 2 : i32
    %mul3A_46 = vector.broadcast %mul3A_45 : i32 to vector<16xi32>
    %mul3A_47 = arith.muli %mul3A_46, %select_n3A : vector<16xi32>
    %add3A_48 = arith.constant 1 : i32
    %add3A_49 = vector.broadcast %add3A_48 : i32 to vector<16xi32>
    %add3A_50 = arith.addi %mul3A_47, %add3A_49 : vector<16xi32>
    %add3A_51 = arith.constant 1 : i32
    %add3A_52 = vector.broadcast %add3A_51 : i32 to vector<16xi32>
    %add3A_53 = arith.addi %add3A_50, %add3A_52 : vector<16xi32>
    %gather3A_54 = tpu.vector_load_idx %arg4[%add3A_33, %add3A_50] : memref<32x512xf32, #tpu.memory_space<vmem>>[vector<16xi32>, vector<16xi32>], vector<16xf32>,
    %gather3A_55 = tpu.vector_load_idx %arg4[%add3A_33, %add3A_53] : memref<32x512xf32, #tpu.memory_space<vmem>>[vector<16xi32>, vector<16xi32>], vector<16xf32>,
    %le3A_56 = arith.cmpf ole, %gather3A_54, %gather3A_55 : vector<16xf32>
    %select_n3A_57 = arith.select %le3A_56, %add3A_50, %add3A_53 : vector<16xi1>, vector<16xi32>
    %mul3A_58 = arith.constant 2 : i32
    %mul3A_59 = vector.broadcast %mul3A_58 : i32 to vector<16xi32>
    %mul3A_60 = arith.muli %mul3A_59, %select_n3A_57 : vector<16xi32>
    %add3A_61 = arith.constant 1 : i32
    %add3A_62 = vector.broadcast %add3A_61 : i32 to vector<16xi32>
    %add3A_63 = arith.addi %mul3A_60, %add3A_62 : vector<16xi32>
    %add3A_64 = arith.constant 1 : i32
    %add3A_65 = vector.broadcast %add3A_64 : i32 to vector<16xi32>
    %add3A_66 = arith.addi %add3A_63, %add3A_65 : vector<16xi32>
    %gather3A_67 = tpu.vector_load_idx %arg4[%add3A_33, %add3A_63] : memref<32x512xf32, #tpu.memory_space<vmem>>[vector<16xi32>, vector<16xi32>], vector<16xf32>,
    %gather3A_68 = tpu.vector_load_idx %arg4[%add3A_33, %add3A_66] : memref<32x512xf32, #tpu.memory_space<vmem>>[vector<16xi32>, vector<16xi32>], vector<16xf32>,
    %le3A_69 = arith.cmpf ole, %gather3A_67, %gather3A_68 : vector<16xf32>
    %select_n3A_70 = arith.select %le3A_69, %add3A_63, %add3A_66 : vector<16xi1>, vector<16xi32>
    %mul3A_71 = arith.constant 2 : i32
    %mul3A_72 = vector.broadcast %mul3A_71 : i32 to vector<16xi32>
    %mul3A_73 = arith.muli %mul3A_72, %select_n3A_70 : vector<16xi32>
    %add3A_74 = arith.constant 1 : i32
    %add3A_75 = vector.broadcast %add3A_74 : i32 to vector<16xi32>
    %add3A_76 = arith.addi %mul3A_73, %add3A_75 : vector<16xi32>
    %add3A_77 = arith.constant 1 : i32
    %add3A_78 = vector.broadcast %add3A_77 : i32 to vector<16xi32>
    %add3A_79 = arith.addi %add3A_76, %add3A_78 : vector<16xi32>
    %gather3A_80 = tpu.vector_load_idx %arg4[%add3A_33, %add3A_76] : memref<32x512xf32, #tpu.memory_space<vmem>>[vector<16xi32>, vector<16xi32>], vector<16xf32>,
    %gather3A_81 = tpu.vector_load_idx %arg4[%add3A_33, %add3A_79] : memref<32x512xf32, #tpu.memory_space<vmem>>[vector<16xi32>, vector<16xi32>], vector<16xf32>,
    %le3A_82 = arith.cmpf ole, %gather3A_80, %gather3A_81 : vector<16xf32>
    %select_n3A_83 = arith.select %le3A_82, %add3A_76, %add3A_79 : vector<16xi1>, vector<16xi32>
    %mul3A_84 = arith.constant 2 : i32
    %mul3A_85 = vector.broadcast %mul3A_84 : i32 to vector<16xi32>
    %mul3A_86 = arith.muli %mul3A_85, %select_n3A_83 : vector<16xi32>
    %add3A_87 = arith.constant 1 : i32
    %add3A_88 = vector.broadcast %add3A_87 : i32 to vector<16xi32>
    %add3A_89 = arith.addi %mul3A_86, %add3A_88 : vector<16xi32>
    %add3A_90 = arith.constant 1 : i32
    %add3A_91 = vector.broadcast %add3A_90 : i32 to vector<16xi32>
    %add3A_92 = arith.addi %add3A_89, %add3A_91 : vector<16xi32>
    %gather3A_93 = tpu.vector_load_idx %arg4[%add3A_33, %add3A_89] : memref<32x512xf32, #tpu.memory_space<vmem>>[vector<16xi32>, vector<16xi32>], vector<16xf32>,
    %gather3A_94 = tpu.vector_load_idx %arg4[%add3A_33, %add3A_92] : memref<32x512xf32, #tpu.memory_space<vmem>>[vector<16xi32>, vector<16xi32>], vector<16xf32>,
    %le3A_95 = arith.cmpf ole, %gather3A_93, %gather3A_94 : vector<16xf32>
    %select_n3A_96 = arith.select %le3A_95, %add3A_89, %add3A_92 : vector<16xi1>, vector<16xi32>
    %mul3A_97 = arith.constant 2 : i32
    %mul3A_98 = vector.broadcast %mul3A_97 : i32 to vector<16xi32>
    %mul3A_99 = arith.muli %mul3A_98, %select_n3A_96 : vector<16xi32>
    %add3A_100 = arith.constant 1 : i32
    %add3A_101 = vector.broadcast %add3A_100 : i32 to vector<16xi32>
    %add3A_102 = arith.addi %mul3A_99, %add3A_101 : vector<16xi32>
    %add3A_103 = arith.constant 1 : i32
    %add3A_104 = vector.broadcast %add3A_103 : i32 to vector<16xi32>
    %add3A_105 = arith.addi %add3A_102, %add3A_104 : vector<16xi32>
    %gather3A_106 = tpu.vector_load_idx %arg4[%add3A_33, %add3A_102] : memref<32x512xf32, #tpu.memory_space<vmem>>[vector<16xi32>, vector<16xi32>], vector<16xf32>,
    %gather3A_107 = tpu.vector_load_idx %arg4[%add3A_33, %add3A_105] : memref<32x512xf32, #tpu.memory_space<vmem>>[vector<16xi32>, vector<16xi32>], vector<16xf32>,
    %le3A_108 = arith.cmpf ole, %gather3A_106, %gather3A_107 : vector<16xf32>
    %select_n3A_109 = arith.select %le3A_108, %add3A_102, %add3A_105 : vector<16xi1>, vector<16xi32>
    %mul3A_110 = arith.constant 2 : i32
    %mul3A_111 = vector.broadcast %mul3A_110 : i32 to vector<16xi32>
    %mul3A_112 = arith.muli %mul3A_111, %select_n3A_109 : vector<16xi32>
    %add3A_113 = arith.constant 1 : i32
    %add3A_114 = vector.broadcast %add3A_113 : i32 to vector<16xi32>
    %add3A_115 = arith.addi %mul3A_112, %add3A_114 : vector<16xi32>
    %add3A_116 = arith.constant 1 : i32
    %add3A_117 = vector.broadcast %add3A_116 : i32 to vector<16xi32>
    %add3A_118 = arith.addi %add3A_115, %add3A_117 : vector<16xi32>
    %gather3A_119 = tpu.vector_load_idx %arg4[%add3A_33, %add3A_115] : memref<32x512xf32, #tpu.memory_space<vmem>>[vector<16xi32>, vector<16xi32>], vector<16xf32>,
    %gather3A_120 = tpu.vector_load_idx %arg4[%add3A_33, %add3A_118] : memref<32x512xf32, #tpu.memory_space<vmem>>[vector<16xi32>, vector<16xi32>], vector<16xf32>,
    %le3A_121 = arith.cmpf ole, %gather3A_119, %gather3A_120 : vector<16xf32>
    %select_n3A_122 = arith.select %le3A_121, %add3A_115, %add3A_118 : vector<16xi1>, vector<16xi32>
    %iota3A_123 = tpu.iota {dimensions = array<i32: 0>} : vector<16xi32>
    %add3A_124 = arith.constant 16 : i32
    %add3A_125 = vector.broadcast %add3A_124 : i32 to vector<16xi32>
    %add3A_126 = arith.addi %iota3A_123, %add3A_125 : vector<16xi32>
    %broadcast_in_dim3A_127 = arith.constant 0 : i32
    %broadcast_in_dim3A_128 = vector.broadcast %broadcast_in_dim3A_127 : i32 to vector<16xi32>
    %mul3A_129 = arith.constant 2 : i32
    %mul3A_130 = vector.broadcast %mul3A_129 : i32 to vector<16xi32>
    %mul3A_131 = arith.muli %mul3A_130, %broadcast_in_dim3A_128 : vector<16xi32>
    %add3A_132 = arith.constant 1 : i32
    %add3A_133 = vector.broadcast %add3A_132 : i32 to vector<16xi32>
    %add3A_134 = arith.addi %mul3A_131, %add3A_133 : vector<16xi32>
    %add3A_135 = arith.constant 1 : i32
    %add3A_136 = vector.broadcast %add3A_135 : i32 to vector<16xi32>
    %add3A_137 = arith.addi %add3A_134, %add3A_136 : vector<16xi32>
    %gather3A_138 = tpu.vector_load_idx %arg4[%add3A_126, %add3A_134] : memref<32x512xf32, #tpu.memory_space<vmem>>[vector<16xi32>, vector<16xi32>], vector<16xf32>,
    %gather3A_139 = tpu.vector_load_idx %arg4[%add3A_126, %add3A_137] : memref<32x512xf32, #tpu.memory_space<vmem>>[vector<16xi32>, vector<16xi32>], vector<16xf32>,
    %le3A_140 = arith.cmpf ole, %gather3A_138, %gather3A_139 : vector<16xf32>
    %select_n3A_141 = arith.select %le3A_140, %add3A_134, %add3A_137 : vector<16xi1>, vector<16xi32>
    %mul3A_142 = arith.constant 2 : i32
    %mul3A_143 = vector.broadcast %mul3A_142 : i32 to vector<16xi32>
    %mul3A_144 = arith.muli %mul3A_143, %select_n3A_141 : vector<16xi32>
    %add3A_145 = arith.constant 1 : i32
    %add3A_146 = vector.broadcast %add3A_145 : i32 to vector<16xi32>
    %add3A_147 = arith.addi %mul3A_144, %add3A_146 : vector<16xi32>
    %add3A_148 = arith.constant 1 : i32
    %add3A_149 = vector.broadcast %add3A_148 : i32 to vector<16xi32>
    %add3A_150 = arith.addi %add3A_147, %add3A_149 : vector<16xi32>
    %gather3A_151 = tpu.vector_load_idx %arg4[%add3A_126, %add3A_147] : memref<32x512xf32, #tpu.memory_space<vmem>>[vector<16xi32>, vector<16xi32>], vector<16xf32>,
    %gather3A_152 = tpu.vector_load_idx %arg4[%add3A_126, %add3A_150] : memref<32x512xf32, #tpu.memory_space<vmem>>[vector<16xi32>, vector<16xi32>], vector<16xf32>,
    %le3A_153 = arith.cmpf ole, %gather3A_151, %gather3A_152 : vector<16xf32>
    %select_n3A_154 = arith.select %le3A_153, %add3A_147, %add3A_150 : vector<16xi1>, vector<16xi32>
    %mul3A_155 = arith.constant 2 : i32
    %mul3A_156 = vector.broadcast %mul3A_155 : i32 to vector<16xi32>
    %mul3A_157 = arith.muli %mul3A_156, %select_n3A_154 : vector<16xi32>
    %add3A_158 = arith.constant 1 : i32
    %add3A_159 = vector.broadcast %add3A_158 : i32 to vector<16xi32>
    %add3A_160 = arith.addi %mul3A_157, %add3A_159 : vector<16xi32>
    %add3A_161 = arith.constant 1 : i32
    %add3A_162 = vector.broadcast %add3A_161 : i32 to vector<16xi32>
    %add3A_163 = arith.addi %add3A_160, %add3A_162 : vector<16xi32>
    %gather3A_164 = tpu.vector_load_idx %arg4[%add3A_126, %add3A_160] : memref<32x512xf32, #tpu.memory_space<vmem>>[vector<16xi32>, vector<16xi32>], vector<16xf32>,
    %gather3A_165 = tpu.vector_load_idx %arg4[%add3A_126, %add3A_163] : memref<32x512xf32, #tpu.memory_space<vmem>>[vector<16xi32>, vector<16xi32>], vector<16xf32>,
    %le3A_166 = arith.cmpf ole, %gather3A_164, %gather3A_165 : vector<16xf32>
    %select_n3A_167 = arith.select %le3A_166, %add3A_160, %add3A_163 : vector<16xi1>, vector<16xi32>
    %mul3A_168 = arith.constant 2 : i32
    %mul3A_169 = vector.broadcast %mul3A_168 : i32 to vector<16xi32>
    %mul3A_170 = arith.muli %mul3A_169, %select_n3A_167 : vector<16xi32>
    %add3A_171 = arith.constant 1 : i32
    %add3A_172 = vector.broadcast %add3A_171 : i32 to vector<16xi32>
    %add3A_173 = arith.addi %mul3A_170, %add3A_172 : vector<16xi32>
    %add3A_174 = arith.constant 1 : i32
    %add3A_175 = vector.broadcast %add3A_174 : i32 to vector<16xi32>
    %add3A_176 = arith.addi %add3A_173, %add3A_175 : vector<16xi32>
    %gather3A_177 = tpu.vector_load_idx %arg4[%add3A_126, %add3A_173] : memref<32x512xf32, #tpu.memory_space<vmem>>[vector<16xi32>, vector<16xi32>], vector<16xf32>,
    %gather3A_178 = tpu.vector_load_idx %arg4[%add3A_126, %add3A_176] : memref<32x512xf32, #tpu.memory_space<vmem>>[vector<16xi32>, vector<16xi32>], vector<16xf32>,
    %le3A_179 = arith.cmpf ole, %gather3A_177, %gather3A_178 : vector<16xf32>
    %select_n3A_180 = arith.select %le3A_179, %add3A_173, %add3A_176 : vector<16xi1>, vector<16xi32>
    %mul3A_181 = arith.constant 2 : i32
    %mul3A_182 = vector.broadcast %mul3A_181 : i32 to vector<16xi32>
    %mul3A_183 = arith.muli %mul3A_182, %select_n3A_180 : vector<16xi32>
    %add3A_184 = arith.constant 1 : i32
    %add3A_185 = vector.broadcast %add3A_184 : i32 to vector<16xi32>
    %add3A_186 = arith.addi %mul3A_183, %add3A_185 : vector<16xi32>
    %add3A_187 = arith.constant 1 : i32
    %add3A_188 = vector.broadcast %add3A_187 : i32 to vector<16xi32>
    %add3A_189 = arith.addi %add3A_186, %add3A_188 : vector<16xi32>
    %gather3A_190 = tpu.vector_load_idx %arg4[%add3A_126, %add3A_186] : memref<32x512xf32, #tpu.memory_space<vmem>>[vector<16xi32>, vector<16xi32>], vector<16xf32>,
    %gather3A_191 = tpu.vector_load_idx %arg4[%add3A_126, %add3A_189] : memref<32x512xf32, #tpu.memory_space<vmem>>[vector<16xi32>, vector<16xi32>], vector<16xf32>,
    %le3A_192 = arith.cmpf ole, %gather3A_190, %gather3A_191 : vector<16xf32>
    %select_n3A_193 = arith.select %le3A_192, %add3A_186, %add3A_189 : vector<16xi1>, vector<16xi32>
    %mul3A_194 = arith.constant 2 : i32
    %mul3A_195 = vector.broadcast %mul3A_194 : i32 to vector<16xi32>
    %mul3A_196 = arith.muli %mul3A_195, %select_n3A_193 : vector<16xi32>
    %add3A_197 = arith.constant 1 : i32
    %add3A_198 = vector.broadcast %add3A_197 : i32 to vector<16xi32>
    %add3A_199 = arith.addi %mul3A_196, %add3A_198 : vector<16xi32>
    %add3A_200 = arith.constant 1 : i32
    %add3A_201 = vector.broadcast %add3A_200 : i32 to vector<16xi32>
    %add3A_202 = arith.addi %add3A_199, %add3A_201 : vector<16xi32>
    %gather3A_203 = tpu.vector_load_idx %arg4[%add3A_126, %add3A_199] : memref<32x512xf32, #tpu.memory_space<vmem>>[vector<16xi32>, vector<16xi32>], vector<16xf32>,
    %gather3A_204 = tpu.vector_load_idx %arg4[%add3A_126, %add3A_202] : memref<32x512xf32, #tpu.memory_space<vmem>>[vector<16xi32>, vector<16xi32>], vector<16xf32>,
    %le3A_205 = arith.cmpf ole, %gather3A_203, %gather3A_204 : vector<16xf32>
    %select_n3A_206 = arith.select %le3A_205, %add3A_199, %add3A_202 : vector<16xi1>, vector<16xi32>
    %mul3A_207 = arith.constant 2 : i32
    %mul3A_208 = vector.broadcast %mul3A_207 : i32 to vector<16xi32>
    %mul3A_209 = arith.muli %mul3A_208, %select_n3A_206 : vector<16xi32>
    %add3A_210 = arith.constant 1 : i32
    %add3A_211 = vector.broadcast %add3A_210 : i32 to vector<16xi32>
    %add3A_212 = arith.addi %mul3A_209, %add3A_211 : vector<16xi32>
    %add3A_213 = arith.constant 1 : i32
    %add3A_214 = vector.broadcast %add3A_213 : i32 to vector<16xi32>
    %add3A_215 = arith.addi %add3A_212, %add3A_214 : vector<16xi32>
    %gather3A_216 = tpu.vector_load_idx %arg4[%add3A_126, %add3A_212] : memref<32x512xf32, #tpu.memory_space<vmem>>[vector<16xi32>, vector<16xi32>], vector<16xf32>,
    %gather3A_217 = tpu.vector_load_idx %arg4[%add3A_126, %add3A_215] : memref<32x512xf32, #tpu.memory_space<vmem>>[vector<16xi32>, vector<16xi32>], vector<16xf32>,
    %le3A_218 = arith.cmpf ole, %gather3A_216, %gather3A_217 : vector<16xf32>
    %select_n3A_219 = arith.select %le3A_218, %add3A_212, %add3A_215 : vector<16xi1>, vector<16xi32>
    %dma_wait3A_220 = arith.constant 0 : i32
    %dma_wait3A_221 = arith.constant 256 : i32
    %dma_wait3A_222 = tpu.memref_slice %arg4[%dma_wait3A_220, %dma_wait3A_221] : memref<32x512xf32, #tpu.memory_space<vmem>> -> memref<32x256xf32, #tpu.memory_space<vmem>>
    %dma_wait3A_223 = arith.constant 256 : i32
    %dma_wait3A_224 = tpu.memref_slice %arg2[%mul3A_2, %dma_wait3A_223] : memref<1024x512xf32, #tpu.memory_space<hbm>> -> memref<32x256xf32, #tpu.memory_space<hbm>>
    %dma_wait3A_225 = arith.constant 0 : i32
    %dma_wait3A_226 = arith.constant 256 : i32
    %dma_wait3A_227 = tpu.memref_slice %arg4[%dma_wait3A_225, %dma_wait3A_226] : memref<32x512xf32, #tpu.memory_space<vmem>> -> memref<32x256xf32, #tpu.memory_space<vmem>>
    %dma_wait3A_228 = arith.constant 256 : i32
    %dma_wait3A_229 = tpu.memref_slice %arg2[%mul3A_2, %dma_wait3A_228] : memref<1024x512xf32, #tpu.memory_space<hbm>> -> memref<32x256xf32, #tpu.memory_space<hbm>>
    tpu.wait_dma2 semaphore(%arg7 : memref<!tpu.dma_semaphore, #tpu.memory_space<semaphore_mem>>) src(%dma_wait3A_229 : memref<32x256xf32, #tpu.memory_space<hbm>>) dst(%dma_wait3A_227 : memref<32x256xf32, #tpu.memory_space<vmem>>)
    %mul3A_230 = arith.constant 2 : i32
    %mul3A_231 = vector.broadcast %mul3A_230 : i32 to vector<16xi32>
    %mul3A_232 = arith.muli %mul3A_231, %select_n3A_122 : vector<16xi32>
    %add3A_233 = arith.constant 1 : i32
    %add3A_234 = vector.broadcast %add3A_233 : i32 to vector<16xi32>
    %add3A_235 = arith.addi %mul3A_232, %add3A_234 : vector<16xi32>
    %add3A_236 = arith.constant 1 : i32
    %add3A_237 = vector.broadcast %add3A_236 : i32 to vector<16xi32>
    %add3A_238 = arith.addi %add3A_235, %add3A_237 : vector<16xi32>
    %gather3A_239 = tpu.vector_load_idx %arg4[%add3A_33, %add3A_235] : memref<32x512xf32, #tpu.memory_space<vmem>>[vector<16xi32>, vector<16xi32>], vector<16xf32>,
    %gather3A_240 = tpu.vector_load_idx %arg4[%add3A_33, %add3A_238] : memref<32x512xf32, #tpu.memory_space<vmem>>[vector<16xi32>, vector<16xi32>], vector<16xf32>,
    %le3A_241 = arith.cmpf ole, %gather3A_239, %gather3A_240 : vector<16xf32>
    %select_n3A_242 = arith.select %le3A_241, %add3A_235, %add3A_238 : vector<16xi1>, vector<16xi32>
    %swap3A = arith.constant 0 : index
    %swap3A_243 = tpu.vector_load %arg5[%swap3A] {strides = array<i32>} : memref<32xi32, #tpu.memory_space<vmem>>, vector<16xi32>,
    tpu.vector_store %arg5[%swap3A], %select_n3A_242 {strides = array<i32>} : memref<32xi32, #tpu.memory_space<vmem>>, vector<16xi32>,
    %mul3A_244 = arith.constant 2 : i32
    %mul3A_245 = vector.broadcast %mul3A_244 : i32 to vector<16xi32>
    %mul3A_246 = arith.muli %mul3A_245, %select_n3A_219 : vector<16xi32>
    %add3A_247 = arith.constant 1 : i32
    %add3A_248 = vector.broadcast %add3A_247 : i32 to vector<16xi32>
    %add3A_249 = arith.addi %mul3A_246, %add3A_248 : vector<16xi32>
    %add3A_250 = arith.constant 1 : i32
    %add3A_251 = vector.broadcast %add3A_250 : i32 to vector<16xi32>
    %add3A_252 = arith.addi %add3A_249, %add3A_251 : vector<16xi32>
    %gather3A_253 = tpu.vector_load_idx %arg4[%add3A_126, %add3A_249] : memref<32x512xf32, #tpu.memory_space<vmem>>[vector<16xi32>, vector<16xi32>], vector<16xf32>,
    %gather3A_254 = tpu.vector_load_idx %arg4[%add3A_126, %add3A_252] : memref<32x512xf32, #tpu.memory_space<vmem>>[vector<16xi32>, vector<16xi32>], vector<16xf32>,
    %le3A_255 = arith.cmpf ole, %gather3A_253, %gather3A_254 : vector<16xf32>
    %select_n3A_256 = arith.select %le3A_255, %add3A_249, %add3A_252 : vector<16xi1>, vector<16xi32>
    %swap3A_257 = arith.constant 16 : index
    %swap3A_258 = tpu.vector_load %arg5[%swap3A_257] {strides = array<i32>} : memref<32xi32, #tpu.memory_space<vmem>>, vector<16xi32>,
    tpu.vector_store %arg5[%swap3A_257], %select_n3A_256 {strides = array<i32>} : memref<32xi32, #tpu.memory_space<vmem>>, vector<16xi32>,
    "tpu.region"() ({
      %run_scoped3A = tpu.sem_alloc : memref<!tpu.dma_semaphore, #tpu.memory_space<semaphore_mem>>
      %dma_start3A_259 = tpu.memref_slice %arg3[%mul3A_2] : memref<1024xi32, #tpu.memory_space<hbm>> -> memref<32xi32, #tpu.memory_space<hbm>>
      %dma_start3A_260 = tpu.memref_slice %arg3[%mul3A_2] : memref<1024xi32, #tpu.memory_space<hbm>> -> memref<32xi32, #tpu.memory_space<hbm>>
      tpu.enqueue_dma source(%arg5 : memref<32xi32, #tpu.memory_space<vmem>>) target(%dma_start3A_260 : memref<32xi32, #tpu.memory_space<hbm>>) target_semaphore(%run_scoped3A : memref<!tpu.dma_semaphore, #tpu.memory_space<semaphore_mem>>)
      %dma_wait3A_261 = tpu.memref_slice %arg3[%mul3A_2] : memref<1024xi32, #tpu.memory_space<hbm>> -> memref<32xi32, #tpu.memory_space<hbm>>
      %dma_wait3A_262 = tpu.memref_slice %arg3[%mul3A_2] : memref<1024xi32, #tpu.memory_space<hbm>> -> memref<32xi32, #tpu.memory_space<hbm>>
      tpu.wait_dma2 semaphore(%run_scoped3A : memref<!tpu.dma_semaphore, #tpu.memory_space<semaphore_mem>>) src(%arg5 : memref<32xi32, #tpu.memory_space<vmem>>) dst(%dma_wait3A_262 : memref<32xi32, #tpu.memory_space<hbm>>)
      tpu.yield
    }) : () -> ()
    return
  }
}

module attributes {stable_mosaic.version = 14 : i64} {
  func.func @_scores_body(%arg0: memref<512x512xf32, #tpu.memory_space<vmem>>, %arg1: memref<511x256xf32, #tpu.memory_space<vmem>>, %arg2: memref<1024x512xf32, #tpu.memory_space<vmem>>) attributes {dimension_semantics = [], scalar_prefetch = 0 : i64, scratch_operands = 0 : i64, tpu.core_type = #tpu.core_type<tc>} {
    %get3A = arith.constant 0 : index
    %get3A_0 = arith.constant 0 : index
    %get3A_1 = vector.load %arg1[%get3A, %get3A_0] : memref<511x256xf32, #tpu.memory_space<vmem>>, vector<511x256xf32>
    %broadcast_in_dim3A = arith.constant 0.000000e+00 : f32
    %broadcast_in_dim3A_2 = vector.broadcast %broadcast_in_dim3A : f32 to vector<1x256xf32>
    %concatenate3A = tpu.concatenate %get3A_1, %broadcast_in_dim3A_2 in 0 : vector<511x256xf32>, vector<1x256xf32> -> vector<512x256xf32>
    %transpose3A = tpu.transpose %concatenate3A, [1, 0] : vector<512x256xf32> -> vector<256x512xf32>
    %mul3A = arith.mulf %transpose3A, %transpose3A : vector<256x512xf32>
    %reduce_sum3A = arith.constant dense<0.000000e+00> : vector<512xf32>
    %reduce_sum3A_3 = vector.multi_reduction <add>, %mul3A, %reduce_sum3A [0] : vector<256x512xf32> to vector<512xf32>
    %get3A_4 = arith.constant 0 : index
    %get3A_5 = arith.constant 0 : index
    %get3A_6 = vector.load %arg0[%get3A_4, %get3A_5] : memref<512x512xf32, #tpu.memory_space<vmem>>, vector<128x512xf32>
    %reshape3A = vector.shape_cast %get3A_6 : vector<128x512xf32> to vector<8x16x32x16xf32>
    %transpose3A_7 = tpu.transpose %reshape3A, [0, 2, 1, 3] : vector<8x16x32x16xf32> -> vector<8x32x16x16xf32>
    %reshape3A_8 = vector.shape_cast %transpose3A_7 : vector<8x32x16x16xf32> to vector<256x256xf32>
    %dot_general3A = arith.constant dense<0.000000e+00> : vector<256x512xf32>
    %dot_general3A_9 = tpu.matmul %reshape3A_8, %transpose3A, %dot_general3A {dimension_numbers = #tpu.dot_dimension_numbers<[1], [0], [0], [1], [0, 0, 1, 1], [], []>, precision = #tpu.contract_precision<fp32>, transpose_lhs_hint = false} : vector<256x256xf32>, vector<256x512xf32>, vector<256x512xf32> -> vector<256x512xf32>
    %broadcast_in_dim3A_10 = vector.shape_cast %reduce_sum3A_3 : vector<512xf32> to vector<1x512xf32>
    %mul3A_11 = arith.constant 2.000000e+00 : f32
    %mul3A_12 = vector.broadcast %mul3A_11 : f32 to vector<256x512xf32>
    %mul3A_13 = arith.mulf %mul3A_12, %dot_general3A_9 : vector<256x512xf32>
    %sub3A = vector.broadcast %broadcast_in_dim3A_10 : vector<1x512xf32> to vector<256x512xf32>
    %sub3A_14 = arith.subf %sub3A, %mul3A_13 : vector<256x512xf32>
    %swap3A = arith.constant 0 : index
    %swap3A_15 = arith.constant 0 : index
    %swap3A_16 = vector.load %arg2[%swap3A, %swap3A_15] : memref<1024x512xf32, #tpu.memory_space<vmem>>, vector<256x512xf32>
    tpu.vector_store %arg2[%swap3A, %swap3A_15], %sub3A_14 {strides = array<i32>} : memref<1024x512xf32, #tpu.memory_space<vmem>>, vector<256x512xf32>,
    %get3A_17 = arith.constant 128 : index
    %get3A_18 = arith.constant 0 : index
    %get3A_19 = vector.load %arg0[%get3A_17, %get3A_18] : memref<512x512xf32, #tpu.memory_space<vmem>>, vector<128x512xf32>
    %reshape3A_20 = vector.shape_cast %get3A_19 : vector<128x512xf32> to vector<8x16x32x16xf32>
    %transpose3A_21 = tpu.transpose %reshape3A_20, [0, 2, 1, 3] : vector<8x16x32x16xf32> -> vector<8x32x16x16xf32>
    %reshape3A_22 = vector.shape_cast %transpose3A_21 : vector<8x32x16x16xf32> to vector<256x256xf32>
    %dot_general3A_23 = arith.constant dense<0.000000e+00> : vector<256x512xf32>
    %dot_general3A_24 = tpu.matmul %reshape3A_22, %transpose3A, %dot_general3A_23 {dimension_numbers = #tpu.dot_dimension_numbers<[1], [0], [0], [1], [0, 0, 1, 1], [], []>, precision = #tpu.contract_precision<fp32>, transpose_lhs_hint = false} : vector<256x256xf32>, vector<256x512xf32>, vector<256x512xf32> -> vector<256x512xf32>
    %broadcast_in_dim3A_25 = vector.shape_cast %reduce_sum3A_3 : vector<512xf32> to vector<1x512xf32>
    %mul3A_26 = arith.constant 2.000000e+00 : f32
    %mul3A_27 = vector.broadcast %mul3A_26 : f32 to vector<256x512xf32>
    %mul3A_28 = arith.mulf %mul3A_27, %dot_general3A_24 : vector<256x512xf32>
    %sub3A_29 = vector.broadcast %broadcast_in_dim3A_25 : vector<1x512xf32> to vector<256x512xf32>
    %sub3A_30 = arith.subf %sub3A_29, %mul3A_28 : vector<256x512xf32>
    %swap3A_31 = arith.constant 256 : index
    %swap3A_32 = arith.constant 0 : index
    %swap3A_33 = vector.load %arg2[%swap3A_31, %swap3A_32] : memref<1024x512xf32, #tpu.memory_space<vmem>>, vector<256x512xf32>
    tpu.vector_store %arg2[%swap3A_31, %swap3A_32], %sub3A_30 {strides = array<i32>} : memref<1024x512xf32, #tpu.memory_space<vmem>>, vector<256x512xf32>,
    %get3A_34 = arith.constant 256 : index
    %get3A_35 = arith.constant 0 : index
    %get3A_36 = vector.load %arg0[%get3A_34, %get3A_35] : memref<512x512xf32, #tpu.memory_space<vmem>>, vector<128x512xf32>
    %reshape3A_37 = vector.shape_cast %get3A_36 : vector<128x512xf32> to vector<8x16x32x16xf32>
    %transpose3A_38 = tpu.transpose %reshape3A_37, [0, 2, 1, 3] : vector<8x16x32x16xf32> -> vector<8x32x16x16xf32>
    %reshape3A_39 = vector.shape_cast %transpose3A_38 : vector<8x32x16x16xf32> to vector<256x256xf32>
    %dot_general3A_40 = arith.constant dense<0.000000e+00> : vector<256x512xf32>
    %dot_general3A_41 = tpu.matmul %reshape3A_39, %transpose3A, %dot_general3A_40 {dimension_numbers = #tpu.dot_dimension_numbers<[1], [0], [0], [1], [0, 0, 1, 1], [], []>, precision = #tpu.contract_precision<fp32>, transpose_lhs_hint = false} : vector<256x256xf32>, vector<256x512xf32>, vector<256x512xf32> -> vector<256x512xf32>
    %broadcast_in_dim3A_42 = vector.shape_cast %reduce_sum3A_3 : vector<512xf32> to vector<1x512xf32>
    %mul3A_43 = arith.constant 2.000000e+00 : f32
    %mul3A_44 = vector.broadcast %mul3A_43 : f32 to vector<256x512xf32>
    %mul3A_45 = arith.mulf %mul3A_44, %dot_general3A_41 : vector<256x512xf32>
    %sub3A_46 = vector.broadcast %broadcast_in_dim3A_42 : vector<1x512xf32> to vector<256x512xf32>
    %sub3A_47 = arith.subf %sub3A_46, %mul3A_45 : vector<256x512xf32>
    %swap3A_48 = arith.constant 512 : index
    %swap3A_49 = arith.constant 0 : index
    %swap3A_50 = vector.load %arg2[%swap3A_48, %swap3A_49] : memref<1024x512xf32, #tpu.memory_space<vmem>>, vector<256x512xf32>
    tpu.vector_store %arg2[%swap3A_48, %swap3A_49], %sub3A_47 {strides = array<i32>} : memref<1024x512xf32, #tpu.memory_space<vmem>>, vector<256x512xf32>,
    %get3A_51 = arith.constant 384 : index
    %get3A_52 = arith.constant 0 : index
    %get3A_53 = vector.load %arg0[%get3A_51, %get3A_52] : memref<512x512xf32, #tpu.memory_space<vmem>>, vector<128x512xf32>
    %reshape3A_54 = vector.shape_cast %get3A_53 : vector<128x512xf32> to vector<8x16x32x16xf32>
    %transpose3A_55 = tpu.transpose %reshape3A_54, [0, 2, 1, 3] : vector<8x16x32x16xf32> -> vector<8x32x16x16xf32>
    %reshape3A_56 = vector.shape_cast %transpose3A_55 : vector<8x32x16x16xf32> to vector<256x256xf32>
    %dot_general3A_57 = arith.constant dense<0.000000e+00> : vector<256x512xf32>
    %dot_general3A_58 = tpu.matmul %reshape3A_56, %transpose3A, %dot_general3A_57 {dimension_numbers = #tpu.dot_dimension_numbers<[1], [0], [0], [1], [0, 0, 1, 1], [], []>, precision = #tpu.contract_precision<fp32>, transpose_lhs_hint = false} : vector<256x256xf32>, vector<256x512xf32>, vector<256x512xf32> -> vector<256x512xf32>
    %broadcast_in_dim3A_59 = vector.shape_cast %reduce_sum3A_3 : vector<512xf32> to vector<1x512xf32>
    %mul3A_60 = arith.constant 2.000000e+00 : f32
    %mul3A_61 = vector.broadcast %mul3A_60 : f32 to vector<256x512xf32>
    %mul3A_62 = arith.mulf %mul3A_61, %dot_general3A_58 : vector<256x512xf32>
    %sub3A_63 = vector.broadcast %broadcast_in_dim3A_59 : vector<1x512xf32> to vector<256x512xf32>
    %sub3A_64 = arith.subf %sub3A_63, %mul3A_62 : vector<256x512xf32>
    %swap3A_65 = arith.constant 768 : index
    %swap3A_66 = arith.constant 0 : index
    %swap3A_67 = vector.load %arg2[%swap3A_65, %swap3A_66] : memref<1024x512xf32, #tpu.memory_space<vmem>>, vector<256x512xf32>
    tpu.vector_store %arg2[%swap3A_65, %swap3A_66], %sub3A_64 {strides = array<i32>} : memref<1024x512xf32, #tpu.memory_space<vmem>>, vector<256x512xf32>,
    return
  }
}

</mosaic_0001>

<sc_bundles>
// kernel: kernel.4.cloned.1.call-start
scs
__scs_entry_jumppad:
0x0: {  	(pc) =	sbr.rel $0x88, $3  }
0x1: {  	(tag) =	ssettag $0x0;
	lr =	simm.s32 $0x1  }
0x2: {  	[smem:$0x3F9F] =	sst lr;
	_ =	strace $0xD0000000  }
0x3: {  	_ = 	snop  }
0x4: {  	_ = 	snop  }
0x5: {  	_ = 	snop  }
0x6: {  	_ = 	snop  }
0x7: {  	_ = 	snop  }
__scs_overlays_trampoline_lowered:
0x8: {  	[smem:$0x3FAE] =	sst s0  }
0x9: {  	[smem:$0x3FAF] =	sst s1  }
0xa: {  	[smem:$0x3FB0] =	sst s2  }
0xb: {  	[smem:$0x3FB1] =	sst s3  }
0xc: {  	[smem:$0x3FB2] =	sst s4  }
0xd: {  	[smem:$0x3FB3] =	sst s5  }
0xe: {  	[smem:$0x3FB4] =	sst s6  }
0xf: {  	[smem:$0x3FB5] =	sst s7  }
0x10: {  	[smem:$0x3FB6] =	sst s8  }
0x11: {  	[smem:$0x3FB7] =	sst s9;
	s0 =	simm.s32 @!p0 $0x0  }
0x12: {  	s1 =	sld [smem:$0x3F9D];
	s0 =	simm.s32 @p0 $0x1  }
0x13: {  	[smem:$0x3FB8] =	sst s0;
	s0 =	simm.s32 @!p1 $0x0  }
0x14: {  	s2 =	sld [smem:$0x3F9C];
	s0 =	simm.s32 @p1 $0x1  }
0x15: {  	[smem:$0x3FB9] =	sst s0;
	s0 =	simm.s32 @!p2 $0x0  }
0x16: {  	s3 =	sld [smem:$0x3FDB];
	s0 =	simm.s32 @p2 $0x1  }
0x17: {  	s4 =	simm.s32 $0x1BF5;
	[smem:$0x3FBB] =	sst s0  }
0x18: {  	s0 =	sld [smem:$0x3F9E];
	_ =	swait.ge [sflag:s4], $0x0  }
0x19: {  	s7 =	sld [smem:$0x3F9F]  }
0x1a: {  	s8 =	sadd.s32 $0xFFFFE003, lr  }
0x1b: {  	s9 =	sadd.s32 $0xFFFFFEF7, lr;
	s5 =	simm.s32 $0xFFFFFFFF;
	p2 =	slt.u32 s8, $0xFFFFF086  }
0x1c: {  	p1 =	slt.u32 s9, $0xF7A;
	s5 =	simm.s32 @!p2 $0x0  }
0x1d: {  	s5 =	simm.s32 @p1 $0x1;
	p0 =	seq.s32 s7, s2  }
0x1e: {  	s7 =	smul.u32 @!p0 $0xF7A, s2;
	p2 =	seq.s32 @!p0 s5, $0x0  }
0x1f: {  	s9 =	smul.u32 $0xF7A, s1;
	s8 =	simm.s32 @!p0 $0x1BF5;
	p2 =	por !p2, p0  }
0x20: {  	[sflag:s8] =	ssyncset.s32 @!p0 $0xFFFFF086;
	s6 =	sadd.s32 @!p0 s3, s7;
	s7 =	simm.s32 @!p0 $0x108  }
0x21: {  	s3 =	sadd.s32 s3, s9;
	s6 =	sadd.s32 @!p0 $0x88, s6;
	s7 =	simm.s32 @p2 $0x1082  }
0x22: {  	[simem:s7], [sflag:s8] =	dma.local @!p0 [hbm:s6], $0xF7A  }
0x23: {  	s9 =	sor.u32 $0xD0000000, s2;
	s6 =	simm.s32 $0x108;
	_ =	swait.ge @!p0 [sflag:s8], $0x0  }
0x24: {  	s3 =	sadd.s32 $0x88, s3;
	s6 =	simm.s32 @!p1 $0x1082;
	[sflag:s4] =	ssyncset.s32 $0xFFFFF086  }
0x25: {  	[simem:s6], [sflag:s4] =	dma.local [hbm:s3], $0xF7A  }
0x26: {  	[smem:$0x3F9F] =	sst s1;
	(tag) =	ssettag s2;
	_ =	strace s9  }
0x27: {  	s1 =	sld [smem:$0x3FAF]  }
0x28: {  	s2 =	sld [smem:$0x3FB0]  }
0x29: {  	s4 =	sld [smem:$0x3FB2]  }
0x2a: {  	p0 =	seq.s32 s5, $0x0;
	s5 =	sld [smem:$0x3FB3]  }
0x2b: {  	s6 =	sld [smem:$0x3FB4]  }
0x2c: {  	s7 =	sld [smem:$0x3FB5]  }
0x2d: {  	s3 =	simm.s32 $0x108;
	s8 =	sld [smem:$0x3FB6]  }
0x2e: {  	s3 =	simm.s32 @!p0 $0x1082;
	s9 =	sld [smem:$0x3FB7]  }
0x2f: {  	lr =	sadd.s32 s0, s3;
	s0 =	sld [smem:$0x3FAE]  }
0x30: {  	s3 =	sld [smem:$0x3FB1]  }
0x31: {  	[smem:$0x3FBA] =	sst s10  }
0x32: {  	s10 =	sld [smem:$0x3FB8];
	_ =	sdelay $0x3  }
0x33: {  	p0 =	seq.s32 s10, $0x1;
	s10 =	sld [smem:$0x3FBA];
	_ =	sdelay $0x3  }
0x34: {  	[smem:$0x3FBA] =	sst s10  }
0x35: {  	s10 =	sld [smem:$0x3FB9];
	_ =	sdelay $0x3  }
0x36: {  	p1 =	seq.s32 s10, $0x1;
	s10 =	sld [smem:$0x3FBA];
	_ =	sdelay $0x3  }
0x37: {  	[smem:$0x3FBA] =	sst s10  }
0x38: {  	s10 =	sld [smem:$0x3FBB]  }
0x39: {  	_ = 	snop;
	(pc) =	sbr.ind lr, $3  }
0x3a: {  	_ = 	snop  }
0x3b: {  	_ = 	snop  }
0x3c: {  	p2 =	seq.s32 s10, $0x1;
	s10 =	sld [smem:$0x3FBA]  }
0x3d: {  	_ =	shalt  }
0x3e: {  	_ =	shalt  }
0x3f: {  	_ =	shalt  }
0x40: {  	_ =	shalt  }
0x41: {  	_ =	shalt  }
0x42: {  	_ =	shalt  }
0x43: {  	_ =	shalt  }
0x44: {  	_ =	shalt  }
0x45: {  	_ =	shalt  }
0x46: {  	_ =	shalt  }
0x47: {  	_ =	shalt  }
0x48: {  	_ =	shalt  }
0x49: {  	_ =	shalt  }
0x4a: {  	_ =	shalt  }
0x4b: {  	_ =	shalt  }
0x4c: {  	_ =	shalt  }
0x4d: {  	_ =	shalt  }
0x4e: {  	_ =	shalt  }
0x4f: {  	_ =	shalt  }
0x50: {  	_ =	shalt  }
0x51: {  	_ =	shalt  }
0x52: {  	_ =	shalt  }
0x53: {  	_ =	shalt  }
0x54: {  	_ =	shalt  }
0x55: {  	_ =	shalt  }
0x56: {  	_ =	shalt  }
0x57: {  	_ =	shalt  }
0x58: {  	_ =	shalt  }
0x59: {  	_ =	shalt  }
0x5a: {  	_ =	shalt  }
0x5b: {  	_ =	shalt  }
0x5c: {  	_ =	shalt  }
0x5d: {  	_ =	shalt  }
0x5e: {  	_ =	shalt  }
0x5f: {  	_ =	shalt  }
0x60: {  	_ =	shalt  }
0x61: {  	_ =	shalt  }
0x62: {  	_ =	shalt  }
0x63: {  	_ =	shalt  }
0x64: {  	_ =	shalt  }
0x65: {  	_ =	shalt  }
0x66: {  	_ =	shalt  }
0x67: {  	_ =	shalt  }
0x68: {  	_ =	shalt  }
0x69: {  	_ =	shalt  }
0x6a: {  	_ =	shalt  }
0x6b: {  	_ =	shalt  }
0x6c: {  	_ =	shalt  }
0x6d: {  	_ =	shalt  }
0x6e: {  	_ =	shalt  }
0x6f: {  	_ =	shalt  }
0x70: {  	_ =	shalt  }
0x71: {  	_ =	shalt  }
0x72: {  	_ =	shalt  }
0x73: {  	_ =	shalt  }
0x74: {  	_ =	shalt  }
0x75: {  	_ =	shalt  }
0x76: {  	_ =	shalt  }
0x77: {  	_ =	shalt  }
0x78: {  	_ =	shalt  }
0x79: {  	_ =	shalt  }
0x7a: {  	_ =	shalt  }
0x7b: {  	_ =	shalt  }
0x7c: {  	_ =	shalt  }
0x7d: {  	_ =	shalt  }
0x7e: {  	_ =	shalt  }
0x7f: {  	_ =	shalt  }
0x80: {  	_ =	shalt  }
0x81: {  	_ =	shalt  }
0x82: {  	_ =	shalt  }
0x83: {  	_ =	shalt  }
0x84: {  	_ =	shalt  }
0x85: {  	_ =	shalt  }
0x86: {  	_ =	shalt  }
0x87: {  	_ =	shalt  }
.Lfunc_end0:
.L_simem_size_0:
called_computation_lowered:
.L_overlay_start_0:
0x88: {  	s2 =	sld [smem:$0x3FD9]  }
0x89: {  	s3 =	sld [smem:$0x3FFE];
	_ =	sdelay $0x1  }
0x8a: {  	s1 =	srdreg.scid  }
0x8b: {  	s0 =	sand.u32 $0x1, s1  }
0x8c: {  	s17 =	sshll.u32 s0, $0xA;
	s2 =	sadd.s32 s3, s2  }
0x8d: {  	s2 =	sadd.s32 s2, s17  }
0x8e: {  	[smem:$0x3FC6] =	sst s2  }
0x8f: {  	_ = 	snop  }
0x90: {  	s2 =	sld [smem:$0x3FD0];
	(tm) =	ssettm $0x1  }
0x91: {  	s18 =	sld [smem:$0x3FFB];
	_ =	sdelay $0x3  }
0x92: {  	_ =	strace s18  }
0x93: {  	s3 =	sld [smem:$0x3FFC];
	_ =	sdelay $0x3  }
0x94: {  	_ =	strace s3  }
0x95: {  	s3 =	sld [smem:$0x3FFD];
	_ =	sdelay $0x3  }
0x96: {  	_ =	strace s3  }
0x97: {  	_ =	strace $0x8FFFFFFF  }
0x98: {  	s19 =	sld [smem:$0x3FDB];
	_ =	sdelay $0x1  }
0x99: {  	s4 =	simm.s32 $_scs_section_size  }
0x9a: {  	s5 =	simm.s32 $_size__tile_overlayer_lowered;
	s6 =	simm.s32 $_tile_overlayer_lowered  }
0x9b: {  	s22 =	simm.s32 $0x1BFF;
	s21 =	sshll.u32 s6, $0x1;
	s3 =	sadd.s32 s4, s19  }
0x9c: {  	s7 =	simm.s32 $0x0;
	s20 =	sshll.u32 s5, $0x1;
	s5 =	sadd.s32 s21, s3  }
0x9d: {  	[timem:s7], [sflag:s22] =	dma.local [hbm:s5], s20  }
0x9e: {  	_ =	swait.ge [sflag:s22], s20  }
0x9f: {  	s4 =	ssub.s32 $0x0, s20;
	[sflag:s22] =	ssyncset.done $0x0  }
0xa0: {  	[sflag:s22] =	ssyncadd.s32 s4;
	_ =	sdelay $0x1  }
0xa1: {  	s23 =	simm.s32 $0x1B8B  }
0xa2: {  	_ =	swait.ge [sflag:s23], $0x1  }
0xa3: {  	[sflag:s23] =	ssyncset.done $0x0  }
0xa4: {  	s25 =	simm.s32 $0x1B8E;
	s24 =	sld [smem:$0x3FFE];
	[sflag:s23] =	ssyncadd.s32 $0xFFFFFFFF  }
0xa5: {  	s26 =	simm.s32 $execute0_lowered;
	[smem:$0x3FD2] =	sst s25  }
0xa6: {  	s5 =	sshll.u32 s26, $0x1;
	_ =	strace $0x80000046;
	[dreg:$0x1] =	wrdreg $0xFFFFFFFF  }
0xa7: {  	s28 =	simm.s32 $_size_execute0_lowered;
	s3 =	sadd.s32 s3, s5;
	[dreg:$0x0] =	wrdreg $0x0  }
0xa8: {  	s5 =	sshll.u32 s28, $0x1;
	[dreg:$0x2] =	wrdreg s3  }
0xa9: {  	[dreg:$0x3] =	wrdreg s5  }
0xaa: {  	[dreg:$0x4] =	wrdreg $0xC0  }
0xab: {  	_ =	task [dreg:s7], $0x5FFFF  }
0xac: {  	[dreg:$0x1] =	wrdreg $0xFFFFFFFF  }
0xad: {  	[dreg:$0x0] =	wrdreg $0x60  }
0xae: {  	[dreg:$0x2] =	wrdreg s24  }
0xaf: {  	[dreg:$0x3] =	wrdreg s2  }
0xb0: {  	[dreg:$0x4] =	wrdreg $0x9  }
0xb1: {  	_ =	task.clear_ibuf [dreg:s7], $0x5FFFF;
	_ =	strace $0x90000046  }
0xb2: {  	s29 =	simm.s32 $0x9;
	_ =	strace $0x80000048  }
0xb3: {  	_ =	swait.ge [sflag:s29], $0x1  }
0xb4: {  	[sflag:s29] =	ssyncadd.s32 $0xFFFFFFFF  }
0xb5: {  	_ =	strace $0x90000048  }
0xb6: {  	_ =	sfence  }
0xb7: {  	s30 =	sld [smem:$0x0];
	_ =	sdelay $0x2  }
0xb8: {  	s31 =	sshll.u32 s1, $0xD;
	s1 =	sshrl.u32 s1, $0x2  }
0xb9: {  	s3 =	sand.u32 $0x4000, s31;
	s1 =	sadd.s32 s1, s30  }
0xba: {  	s0 =	sor.u32 s3, s0;
	s1 =	sshll.u32 s1, $0x11  }
0xbb: {  	s0 =	sor.u32 s1, s0  }
0xbc: {  	s0 =	sadd.s32 $0x8F2B, s0  }
0xbd: {  	[sflag:s0] =	ssyncadd.remote.s32 $0x1  }
0xbe: {  	_ =	sfence.sel $0xFFFF  }
0xbf: {  	[dreg:$0x0] =	wrdreg $0xFFFFFFFF;
	(pc) =	sbr.abs _section_cstart, $3  }
0xc0: {  	[dreg:$0x1] =	wrdreg $0xFFFFFFFF  }
0xc1: {  	_ =	task.clear_ibuf [dreg:s7], $0x2FFFF;
	_ =	strace $0x9FFFFFFF  }
0xc2: {  	(tm) =	ssettm $0x7FFFFFFF  }
0xc3: {  	_ =	shalt  }
tec
execute0_lowered:
.L_overlay_start_1:
0x0: {  	(tag) =	ssettag $0x1  }
0x1: {  	v0 =	vimm.s32 $0x1381;
	vm14 =	vcmask $0x300  }
0x2: {  	vm13 =	vcmask $0x704;
	vm12 =	vcmask $0xB08;
	vm11 =	vcmask $0xF0C  }
0x3: {  	vm10 =	vcmask $0x1310;
	vm9 =	vcmask $0x1714;
	vm8 =	vcmask $0x1B18  }
0x4: {  	vm6 =	vcmask $0x1F1C;
	v1 =	vimm.s32 $0x1382;
	v2 =	vimm.s32 $0x1380  }
0x5: {  	vm0 =	vcmask $0x2320;
	vm1 =	vcmask $0x2724;
	vm2 =	vcmask $0x2B28  }
0x6: {  	vm3 =	vcmask $0x2F2C;
	vm4 =	vcmask $0x3330;
	vm5 =	vcmask $0x3734  }
0x7: {  	vm7 =	vcmask $0x3B38;
	v4 =	vimm.s32 $0x0;
	v5 =	vimm.s32 $0x3381  }
0x8: {  	v6 =	vimm.s32 $0x3382;
	v7 =	vimm.s32 $0x3380;
	v0 =	vsel vm14, $0x1, v0  }
0x9: {  	v1 =	vsel vm14, $0x2, v1;
	v2 =	vsel vm14, $0x0, v2;
	v5 =	vsel vm14, $0x2001, v5  }
0xa: {  	v6 =	vsel vm14, $0x2002, v6;
	v7 =	vsel vm14, $0x2000, v7;
	v0 =	vsel vm13, $0x81, v0  }
0xb: {  	v1 =	vsel vm13, $0x82, v1;
	v2 =	vsel vm13, $0x80, v2;
	v5 =	vsel vm13, $0x2081, v5  }
0xc: {  	v6 =	vsel vm13, $0x2082, v6;
	v7 =	vsel vm13, $0x2080, v7;
	v0 =	vsel vm12, $0x101, v0  }
0xd: {  	v1 =	vsel vm12, $0x102, v1;
	v2 =	vsel vm12, $0x100, v2;
	v5 =	vsel vm12, $0x2101, v5  }
0xe: {  	v6 =	vsel vm12, $0x2102, v6;
	v7 =	vsel vm12, $0x2100, v7;
	v0 =	vsel vm11, $0x181, v0  }
0xf: {  	v1 =	vsel vm11, $0x182, v1;
	v2 =	vsel vm11, $0x180, v2;
	v5 =	vsel vm11, $0x2181, v5  }
0x10: {  	v6 =	vsel vm11, $0x2182, v6;
	v7 =	vsel vm11, $0x2180, v7;
	v0 =	vsel vm10, $0x201, v0  }
0x11: {  	v1 =	vsel vm10, $0x202, v1;
	v2 =	vsel vm10, $0x200, v2;
	v5 =	vsel vm10, $0x2201, v5  }
0x12: {  	v6 =	vsel vm10, $0x2202, v6;
	v7 =	vsel vm10, $0x2200, v7;
	v0 =	vsel vm9, $0x281, v0  }
0x13: {  	v1 =	vsel vm9, $0x282, v1;
	v2 =	vsel vm9, $0x280, v2;
	v5 =	vsel vm9, $0x2281, v5  }
0x14: {  	v6 =	vsel vm9, $0x2282, v6;
	v7 =	vsel vm9, $0x2280, v7;
	v0 =	vsel vm8, $0x301, v0  }
0x15: {  	v1 =	vsel vm8, $0x302, v1;
	v2 =	vsel vm8, $0x300, v2;
	v5 =	vsel vm8, $0x2301, v5  }
0x16: {  	v6 =	vsel vm8, $0x2302, v6;
	v7 =	vsel vm8, $0x2300, v7;
	v0 =	vsel vm6, $0x381, v0  }
0x17: {  	v1 =	vsel vm6, $0x382, v1;
	v2 =	vsel vm6, $0x380, v2;
	v5 =	vsel vm6, $0x2381, v5  }
0x18: {  	v6 =	vsel vm6, $0x2382, v6;
	v7 =	vsel vm6, $0x2380, v7;
	v0 =	vsel vm0, $0x1001, v0  }
0x19: {  	s3 =	rddreg [dreg:$0x0];
	v1 =	vsel vm0, $0x1002, v1;
	v2 =	vsel vm0, $0x1000, v2;
	v5 =	vsel vm0, $0x3001, v5  }
0x1a: {  	s5 =	rddreg [dreg:$0x1];
	s2 =	srdreg.scid;
	v6 =	vsel vm0, $0x3002, v6;
	v7 =	vsel vm0, $0x3000, v7;
	v0 =	vsel vm1, $0x1081, v0  }
0x1b: {  	s0 =	rddreg [dreg:$0x2];
	s1 =	stileid.u32;
	s13 =	simm.s32 $0x1000;
	v1 =	vsel vm1, $0x1082, v1;
	v2 =	vsel vm1, $0x1080, v2;
	v5 =	vsel vm1, $0x3081, v5  }
0x1c: {  	s14 =	simm.s32 $0x2000;
	s15 =	simm.s32 $0x3000;
	s16 =	simm.s32 $0x800;
	v6 =	vsel vm1, $0x3082, v6;
	v7 =	vsel vm1, $0x3080, v7;
	v0 =	vsel vm2, $0x1101, v0  }
0x1d: {  	s17 =	simm.s32 $0x1800;
	s18 =	simm.s32 $0x2800;
	s19 =	simm.s32 $0x3800;
	v1 =	vsel vm2, $0x1102, v1;
	v2 =	vsel vm2, $0x1100, v2;
	v5 =	vsel vm2, $0x3101, v5  }
0x1e: {  	s20 =	simm.s32 $0x1;
	s21 =	simm.s32 $0x2;
	s22 =	simm.s32 $0x4000;
	v6 =	vsel vm2, $0x3102, v6;
	v7 =	vsel vm2, $0x3100, v7;
	v0 =	vsel vm3, $0x1181, v0  }
0x1f: {  	s23 =	simm.s32 $0x3;
	s4 =	sand.u32 $0x1, s2;
	s2 =	simm.s32 $0x0;
	v1 =	vsel vm3, $0x1182, v1;
	v2 =	vsel vm3, $0x1180, v2;
	v5 =	vsel vm3, $0x3181, v5  }
0x20: {  	s6 =	sshll.u32 s1, $0x6;
	s7 =	sshll.u32 s4, $0x5;
	[smem:$0x7FF] =	sst s2;
	v6 =	vsel vm3, $0x3182, v6;
	v7 =	vsel vm3, $0x3180, v7;
	v0 =	vsel vm4, $0x1201, v0  }
0x21: {  	s4 =	ssub.s32 $0x2, s4;
	s6 =	sor.u32 s7, s6;
	_ =	strace $0x80000047;
	v1 =	vsel vm4, $0x1202, v1;
	v2 =	vsel vm4, $0x1200, v2;
	v5 =	vsel vm4, $0x3201, v5  }
0x22: {  	s8 =	sshrl.u32 s4, $0x1;
	s7 =	sshll.u32 s6, $0x6;
	s6 =	sshrl.u32 s6, $0x3;
	v6 =	vsel vm4, $0x3202, v6;
	v7 =	vsel vm4, $0x3200, v7;
	v0 =	vsel vm5, $0x1281, v0  }
0x23: {  	s31 =	ssub.s32 s4, s8;
	s12 =	sadd.s32 s7, s3;
	s5 =	sadd.s32 s5, s6;
	v1 =	vsel vm5, $0x1282, v1;
	v3 =	vsel vm5, $0x1280, v2;
	v2 =	vimm.s32 $0x5  }
0x24: {  	s6 =	smax.u32 s31, $0x1;
	s3 =	sadd.s32 $0xA00, s12;
	s4 =	sadd.s32 $0xB00, s12;
	v5 =	vsel vm5, $0x3281, v5;
	v6 =	vsel vm5, $0x3282, v6;
	v7 =	vsel vm5, $0x3280, v7  }
0x25: {  	s7 =	sadd.s32 $0xC00, s12;
	s8 =	sadd.s32 $0xE00, s12;
	s9 =	sadd.s32 $0x1000, s12;
	v0 =	vsel vm7, $0x1301, v0;
	v1 =	vsel vm7, $0x1302, v1;
	v3 =	vsel vm7, $0x1300, v3  }
0x26: {  	s10 =	sadd.s32 $0xD00, s12;
	s11 =	sadd.s32 $0xF00, s12;
	s12 =	sadd.s32 $0x1100, s12;
	v5 =	vsel vm7, $0x3301, v5;
	v6 =	vsel vm7, $0x3302, v6;
	v7 =	vsel vm7, $0x3300, v7  }
.LBB2_1:
0x27: {  	[tilespmem:s2], [sflag:$0x1] =	stream.linear.gather [hbm4b:s3+s2], $0x800, $0x38;
	[tilespmem:$0x4080] =	vst v63  }
0x28: {  	_ = 	snop  }
0x29: {  	[tilespmem:s13], [sflag:$0x1] =	stream.linear.gather [hbm4b:s7+s2], $0x800, $0x38;
	[tilespmem:$0x4080] =	vst v63  }
0x2a: {  	_ = 	snop  }
0x2b: {  	[tilespmem:s14], [sflag:$0x1] =	stream.linear.gather [hbm4b:s8+s2], $0x800, $0x38;
	[tilespmem:$0x4080] =	vst v63  }
0x2c: {  	_ = 	snop  }
0x2d: {  	[tilespmem:s15], [sflag:$0x1] =	stream.linear.gather [hbm4b:s9+s2], $0x800, $0x38;
	[tilespmem:$0x4080] =	vst v63  }
0x2e: {  	_ = 	snop  }
0x2f: {  	[tilespmem:s16], [sflag:$0x2] =	stream.linear.gather [hbm4b:s4+s2], $0x800, $0x38;
	[tilespmem:$0x4080] =	vst v63  }
0x30: {  	_ = 	snop  }
0x31: {  	[tilespmem:s17], [sflag:$0x2] =	stream.linear.gather [hbm4b:s10+s2], $0x800, $0x38;
	[tilespmem:$0x4080] =	vst v63  }
0x32: {  	_ = 	snop  }
0x33: {  	[tilespmem:s18], [sflag:$0x2] =	stream.linear.gather [hbm4b:s11+s2], $0x800, $0x38;
	[tilespmem:$0x4080] =	vst v63  }
0x34: {  	_ = 	snop  }
0x35: {  	[tilespmem:s19], [sflag:$0x2] =	stream.linear.gather [hbm4b:s12+s2], $0x800, $0x38;
	[tilespmem:$0x4080] =	vst v63  }
0x36: {  	_ =	swait.ge [sflag:s20], $0x2000  }
0x37: {  	[sflag:s20] =	ssyncset.done $0x0  }
0x38: {  	[sflag:s20] =	ssyncadd.s32 $0xFFFFE000  }
0x39: {  	v8 =	vld.idx.msk [tilespmem:v0+s2+$0x0], $0xffff  }
0x3a: {  	v9 =	vld.idx.msk [tilespmem:v1+s2+$0x0], $0xffff;
	_ =	sdelay $0x4  }
0x3b: {  	vm0 =	vle.f32 v8, v9  }
0x3c: {  	v8 =	vsel vm0, $0x3, v2  }
0x3d: {  	v54 =	vor.u32 v3, v8  }
0x3e: {  	v11 =	vld.idx.msk [tilespmem:v5+s2+$0x0], $0xffff;
	v10 =	vadd.s32 v0, v8  }
0x3f: {  	v12 =	vld.idx.msk [tilespmem:v6+s2+$0x0], $0xffff;
	_ =	sdelay $0x2  }
0x40: {  	v9 =	vld.idx.msk [tilespmem:v54+s2+$0x0], $0xffff  }
0x41: {  	v10 =	vld.idx.msk [tilespmem:v10+s2+$0x0], $0xffff  }
0x42: {  	vm13 =	vle.f32 v11, v12  }
0x43: {  	v11 =	vsel vm13, $0x3, v2  }
0x44: {  	v55 =	vor.u32 v7, v11  }
0x45: {  	v13 =	vadd.s32 v5, v11  }
0x46: {  	vm14 =	vle.f32 v9, v10  }
0x47: {  	vm0 =	vmneg vm14  }
0x48: {  	v56 =	vsel vm0, $0x1, v4  }
0x49: {  	v57 =	vld.idx.msk [tilespmem:v55+s2+$0x0], $0xffff;
	v8 =	vadd.s32 v56, v8  }
0x4a: {  	v58 =	vld.idx.msk [tilespmem:v13+s2+$0x0], $0xffff;
	v8 =	vshll.u32 v8, $0x1  }
0x4b: {  	v59 =	vor.u32 v0, v8  }
0x4c: {  	v60 =	vadd.s32 v1, v8;
	_ =	sdelay $0x2  }
0x4d: {  	vm15 =	vle.f32 v57, v58  }
0x4e: {  	vm0 =	vmneg vm15;
	v61 =	vld.idx.msk [tilespmem:v59+s2+$0x0], $0xffff  }
0x4f: {  	v63 =	vsel vm0, $0x1, v4;
	v62 =	vld.idx.msk [tilespmem:v60+s2+$0x0], $0xffff  }
0x50: {  	v11 =	vadd.s32 v63, v11  }
0x51: {  	v11 =	vshll.u32 v11, $0x1  }
0x52: {  	v16 =	vor.u32 v5, v11  }
0x53: {  	v17 =	vadd.s32 v6, v11  }
0x54: {  	v14 =	vor.u32 $0x1, v8;
	v8 =	vadd.s32 $0x2, v8;
	vm4 =	vle.f32 v61, v62  }
0x55: {  	v8 =	vsel vm4, v14, v8  }
0x56: {  	v8 =	vshll.u32 v8, $0x1  }
0x57: {  	v19 =	vld.idx.msk [tilespmem:v16+s2+$0x0], $0xffff;
	v18 =	vadd.s32 $0x2, v8  }
0x58: {  	v13 =	vld.idx.msk [tilespmem:v17+s2+$0x0], $0xffff;
	v20 =	vor.u32 v0, v8;
	v21 =	vand.u32 $0x7E, v18  }
0x59: {  	v14 =	vor.u32 v3, v21;
	_ =	sdelay $0x3  }
0x5a: {  	v15 =	vor.u32 $0x1, v11;
	v11 =	vadd.s32 $0x2, v11;
	vm5 =	vle.f32 v19, v13;
	v12 =	vld.idx.msk [tilespmem:v20+s2+$0x0], $0xffff  }
0x5b: {  	v11 =	vsel vm5, v15, v11;
	v22 =	vld.idx.msk [tilespmem:v14+s2+$0x0], $0xffff  }
0x5c: {  	v11 =	vshll.u32 v11, $0x1  }
0x5d: {  	v23 =	vadd.s32 $0x2, v11  }
0x5e: {  	v24 =	vor.u32 v5, v11;
	v25 =	vand.u32 $0x7E, v23  }
0x5f: {  	v15 =	vor.u32 v7, v25  }
0x60: {  	v8 =	vor.u32 $0x1, v8;
	vm6 =	vle.f32 v12, v22  }
0x61: {  	v8 =	vsel vm6, v8, v18  }
0x62: {  	v8 =	vshll.u32 v8, $0x1  }
0x63: {  	v27 =	vld.idx.msk [tilespmem:v24+s2+$0x0], $0xffff;
	v26 =	vadd.s32 $0x2, v8  }
0x64: {  	v15 =	vld.idx.msk [tilespmem:v15+s2+$0x0], $0xffff;
	v28 =	vor.u32 v0, v8;
	v29 =	vand.u32 $0x7E, v26  }
0x65: {  	v14 =	vor.u32 v3, v29;
	_ =	sdelay $0x3  }
0x66: {  	v11 =	vor.u32 $0x1, v11;
	vm7 =	vle.f32 v27, v15;
	v12 =	vld.idx.msk [tilespmem:v28+s2+$0x0], $0xffff  }
0x67: {  	v11 =	vsel vm7, v11, v23;
	v30 =	vld.idx.msk [tilespmem:v14+s2+$0x0], $0xffff  }
0x68: {  	v11 =	vshll.u32 v11, $0x1  }
0x69: {  	v31 =	vadd.s32 $0x2, v11  }
0x6a: {  	v32 =	vor.u32 v5, v11;
	v33 =	vand.u32 $0x7E, v31  }
0x6b: {  	v15 =	vor.u32 v7, v33  }
0x6c: {  	v8 =	vor.u32 $0x1, v8;
	vm8 =	vle.f32 v12, v30  }
0x6d: {  	v8 =	vsel vm8, v8, v26  }
0x6e: {  	v8 =	vshll.u32 v8, $0x1  }
0x6f: {  	v35 =	vld.idx.msk [tilespmem:v32+s2+$0x0], $0xffff;
	v34 =	vadd.s32 $0x2, v8  }
0x70: {  	v15 =	vld.idx.msk [tilespmem:v15+s2+$0x0], $0xffff;
	v36 =	vor.u32 v0, v8;
	v37 =	vand.u32 $0x7E, v34  }
0x71: {  	v14 =	vor.u32 v3, v37;
	_ =	sdelay $0x3  }
0x72: {  	v11 =	vor.u32 $0x1, v11;
	vm9 =	vle.f32 v35, v15;
	v12 =	vld.idx.msk [tilespmem:v36+s2+$0x0], $0xffff  }
0x73: {  	v11 =	vsel vm9, v11, v31;
	v38 =	vld.idx.msk [tilespmem:v14+s2+$0x0], $0xffff  }
0x74: {  	v11 =	vshll.u32 v11, $0x1  }
0x75: {  	v39 =	vadd.s32 $0x2, v11  }
0x76: {  	v40 =	vor.u32 v5, v11;
	v41 =	vand.u32 $0x7E, v39  }
0x77: {  	v15 =	vor.u32 v7, v41  }
0x78: {  	v8 =	vor.u32 $0x1, v8;
	vm10 =	vle.f32 v12, v38  }
0x79: {  	v8 =	vsel vm10, v8, v34  }
0x7a: {  	v9 =	vshll.u32 v8, $0x1  }
0x7b: {  	v43 =	vld.idx.msk [tilespmem:v40+s2+$0x0], $0xffff;
	v8 =	vshll.u32 v8, $0x4;
	v42 =	vor.u32 $0x1, v9;
	v9 =	vadd.s32 $0x2, v9  }
0x7c: {  	v15 =	vld.idx.msk [tilespmem:v15+s2+$0x0], $0xffff;
	v8 =	vand.u32 $0x7FFFFC00, v8;
	v44 =	vand.u32 $0x7F, v42;
	v16 =	vshll.u32 v9, $0x3  }
0x7d: {  	v45 =	vand.u32 $0x7E, v9;
	v8 =	vor.u32 v44, v8;
	v16 =	vand.u32 $0x7FFFFC00, v16  }
0x7e: {  	v8 =	vadd.s32 v3, v8;
	v14 =	vor.u32 v45, v16  }
0x7f: {  	v14 =	vadd.s32 v3, v14;
	_ =	sdelay $0x1  }
0x80: {  	v11 =	vor.u32 $0x1, v11;
	vm11 =	vle.f32 v43, v15  }
0x81: {  	v11 =	vsel vm11, v11, v39  }
0x82: {  	v46 =	vshll.u32 v11, $0x1;
	v8 =	vld.idx.msk [tilespmem:v8+s2+$0x0], $0xffff  }
0x83: {  	v11 =	vshll.u32 v11, $0x4;
	v48 =	vor.u32 $0x1, v46;
	v12 =	vadd.s32 $0x2, v46;
	v47 =	vld.idx.msk [tilespmem:v14+s2+$0x0], $0xffff  }
0x84: {  	v11 =	vand.u32 $0x7FFFFC00, v11;
	v49 =	vand.u32 $0x7F, v48;
	v50 =	vshll.u32 v12, $0x3  }
0x85: {  	v51 =	vand.u32 $0x7E, v12;
	v11 =	vor.u32 v49, v11;
	v16 =	vand.u32 $0x7FFFFC00, v50  }
0x86: {  	v11 =	vadd.s32 v7, v11;
	v15 =	vor.u32 v51, v16  }
0x87: {  	v15 =	vadd.s32 v7, v15  }
0x88: {  	vm12 =	vle.f32 v8, v47  }
0x89: {  	v8 =	vsel vm12, v42, v9  }
0x8a: {  	v9 =	vshll.u32 v8, $0x1  }
0x8b: {  	v52 =	vld.idx.msk [tilespmem:v11+s2+$0x0], $0xffff;
	v8 =	vshll.u32 v8, $0x4;
	v53 =	vor.u32 $0x1, v9;
	v9 =	vadd.s32 $0x2, v9  }
0x8c: {  	v54 =	vld.idx.msk [tilespmem:v15+s2+$0x0], $0xffff;
	v8 =	vand.u32 $0x7FFFFC00, v8;
	v55 =	vand.u32 $0x7F, v53;
	v56 =	vshll.u32 v9, $0x3  }
0x8d: {  	v57 =	vand.u32 $0x7E, v9;
	v8 =	vor.u32 v55, v8;
	v16 =	vand.u32 $0x7FFFFC00, v56  }
0x8e: {  	v8 =	vadd.s32 v3, v8;
	v15 =	vor.u32 v57, v16  }
0x8f: {  	v15 =	vadd.s32 v3, v15  }
0x90: {  	_ =	swait.ge [sflag:s21], $0x2000  }
0x91: {  	[sflag:s21] =	ssyncset.done $0x0;
	vm13 =	vle.f32 v52, v54  }
0x92: {  	[sflag:s21] =	ssyncadd.s32 $0xFFFFE000;
	v10 =	vsel vm13, v48, v12  }
0x93: {  	v12 =	vshll.u32 v10, $0x1;
	v8 =	vld.idx.msk [tilespmem:v8+s2+$0x0], $0xffff  }
0x94: {  	v10 =	vshll.u32 v10, $0x4;
	v59 =	vor.u32 $0x1, v12;
	v12 =	vadd.s32 $0x2, v12;
	v58 =	vld.idx.msk [tilespmem:v15+s2+$0x0], $0xffff  }
0x95: {  	v10 =	vand.u32 $0x7FFFFC00, v10;
	v60 =	vand.u32 $0x7F, v59;
	v61 =	vshll.u32 v12, $0x3  }
0x96: {  	v62 =	vand.u32 $0x7E, v12;
	v10 =	vor.u32 v60, v10;
	v16 =	vand.u32 $0x7FFFFC00, v61  }
0x97: {  	v10 =	vadd.s32 v7, v10;
	v15 =	vor.u32 v62, v16  }
0x98: {  	v15 =	vadd.s32 v7, v15  }
0x99: {  	vm14 =	vle.f32 v8, v58  }
0x9a: {  	v8 =	vsel vm14, v53, v9  }
0x9b: {  	[tilespmem:$0x4000] =	vst v8  }
0x9c: {  	v8 =	vld.idx.msk [tilespmem:v10+s2+$0x0], $0xffff  }
0x9d: {  	v63 =	vld.idx.msk [tilespmem:v15+s2+$0x0], $0xffff;
	_ =	sdelay $0x4  }
0x9e: {  	vm15 =	vle.f32 v8, v63  }
0x9f: {  	p0 =	sne.s32 s6, $0x1;
	v8 =	vsel vm15, v59, v12  }
.Ltmp0:
0xa0: {  	[tilespmem:$0x4010] =	vst v8;
	(pc) =	sbr.rel @p0 .LBB2_1-.Ltmp0, $4  }
0xa1: {  	[hbm4b:s5+s2] =	stream.linear.scatter [tilespmem:s22], [sflag:$0x3], $0x20, $0x38;
	[tilespmem:$0x4080] =	vst v63  }
0xa2: {  	_ =	swait.ge [sflag:s23], $0x20  }
0xa3: {  	[sflag:s23] =	ssyncset.done $0x0  }
0xa4: {  	s6 =	sadd.s32 $0xFFFFFFFF, s6;
	[sflag:s23] =	ssyncadd.s32 $0xFFFFFFE0  }
0xa5: {  	_ =	sfence.sel $0x180000  }
0xa6: {  	[bflag:$0x0] =	sbarrier.arrive $0xFFFF  }
0xa7: {  	p0 =	sne.s32 s1, $0x0;
	_ =	strace $0x90000047  }
0xa8: {  	s0 =	sadd.s32 @!p0 $0x100000, s0;
	[bflag:$0x2] =	sbarrier.arrive $0xFFFF  }
0xa9: {  	[sflag:s0] =	ssyncadd.tile.s32 @!p0 $0x1;
	_ =	shalt  }
.Lfunc_end2:
_tile_overlayer_lowered:
.L_overlay_start_2:
0xaa: {  	(tag) =	ssettag $0x2  }
0xab: {  	s0 =	rddreg [dreg:$0x0];
	s2 =	stileid.u32  }
0xac: {  	s1 =	rddreg [dreg:$0x1];
	p0 =	sne.s32 s2, $0x0  }
0xad: {  	s3 =	rddreg [dreg:$0x2];
	[bflag:$0x3] =	sbarrier.arrive $0xFFFF;
	s2 =	simm.s32 @!p0 $0x1C03  }
0xae: {  	[timem:s3], [sflag:s2] =	dma.local @!p0 [hbm:s0], s1  }
0xaf: {  	s0 =	simm.s32 @!p0 $0x3  }
0xb0: {  	_ =	swait.ge @!p0 [sflag:s0], s1  }
0xb1: {  	s1 =	ssub.s32 @!p0 $0x0, s1;
	[sflag:s0] =	ssyncset.done @!p0 $0x0  }
0xb2: {  	[sflag:s0] =	ssyncadd.s32 @!p0 s1  }
0xb3: {  	[bflag:$0x3] =	sbarrier.arrive $0xFFFF  }
0xb4: {  	_ =	shalt  }

</sc_bundles>
